<compile_context>
chip_gen: v7x
topology: tpu7x:2x2x1
jax: 0.10.2.dev20260603
libtpu: 0.0.44.dev20260713+nightly
codegen_flags: <defaults>
</compile_context>

<pallas_src>
import functools

import jax
import jax.numpy as jnp
from jax import lax
from jax.experimental import pallas as pl
from jax.experimental.pallas import tpu as pltpu
from jax.experimental.pallas import tpu_sc as plsc

BATCH = 16384
A_MIN = 0.0
A_MAX = 2.0

LANES = 16
CHUNK = 256
NUM_WORKERS = 32
ROWS_PER_W = BATCH // (NUM_WORKERS * CHUNK)

_mesh = plsc.VectorSubcoreMesh(core_axis_name="c", subcore_axis_name="s")


@functools.partial(
    pl.kernel,
    out_type=jax.ShapeDtypeStruct((BATCH,), jnp.float32),
    mesh=_mesh,
    scratch_types=[
        pltpu.VMEM((ROWS_PER_W * CHUNK,), jnp.int32),
        pltpu.VMEM((ROWS_PER_W * CHUNK,), jnp.float32),
        [pltpu.SemaphoreType.DMA] * ROWS_PER_W,
        [pltpu.SemaphoreType.DMA] * ROWS_PER_W,
        pltpu.SemaphoreType.DMA,
    ],
)
def _gather_clamp(idx_hbm, table_hbm, out_hbm, idx_v, rows_v, isems, gsems, wsem):
    wid = lax.axis_index("s") * 2 + lax.axis_index("c")
    base = wid * ROWS_PER_W * CHUNK

    idx_loads = [
        pltpu.async_copy(
            idx_hbm.at[pl.ds(base + j * CHUNK, CHUNK)],
            idx_v.at[pl.ds(j * CHUNK, CHUNK)],
            isems[j],
        )
        for j in range(ROWS_PER_W)
    ]

    gathers = []
    for j in range(ROWS_PER_W):
        idx_loads[j].wait()
        gathers.append(
            pltpu.async_copy(
                table_hbm.at[idx_v.at[pl.ds(j * CHUNK, CHUNK)]],
                rows_v.at[pl.ds(j * CHUNK, CHUNK)],
                gsems[j],
            )
        )

    writes = []
    for j in range(ROWS_PER_W):
        gathers[j].wait()
        for i in range(CHUNK // LANES):
            sl = pl.ds(j * CHUNK + i * LANES, LANES)
            v = rows_v[sl]
            rows_v[sl] = jnp.minimum(jnp.maximum(v, A_MIN), A_MAX)
        writes.append(
            pltpu.async_copy(
                rows_v.at[pl.ds(j * CHUNK, CHUNK)],
                out_hbm.at[pl.ds(base + j * CHUNK, CHUNK)],
                wsem,
            )
        )
    for w in writes:
        w.wait()


def kernel(indices, weight_table):
    idx = indices.astype(jnp.int32)
    return _gather_clamp(idx, weight_table)

# --- scband reference (transcript-rebuilt; emitter-appended) ---
"""Pipeline reference for scband-meta-weight-table-90013924589977 (READ-ONLY COPY).

The authoritative reference and input builder live on the scoring server;
editing this copy changes nothing except your own understanding.
"""

import jax, jax.numpy as jnp
import numpy as np

NUM_SAMPLES = 1000000
ALPHA_MIN = 0.0
ALPHA_MAX = 2.0
BATCH = 16384


def setup_inputs(seed: int = 0) -> dict:
    key = jax.random.key(seed)
    k1, k2 = jax.random.split(key)
    indices = jax.random.randint(k1, (BATCH,), 0, NUM_SAMPLES, dtype=jnp.int64 if jax.config.jax_enable_x64 else jnp.int32)
    weight_table = jnp.ones((NUM_SAMPLES,), dtype=jnp.float32)
    return {"indices": indices, "weight_table": weight_table}


def reference(indices, weight_table):
    # raw_weights = self.weight_table[indices]
    raw_weights = jnp.take(weight_table, indices, axis=0)
    # weights = torch.clamp(raw_weights, alpha_min, alpha_max)
    weights = jnp.clip(raw_weights, ALPHA_MIN, ALPHA_MAX)
    return weights

if __name__ == "__main__":
    import jax
    _d = setup_inputs()
    print(jax.jit(kernel)(*tuple(_d.values())))

</pallas_src>

<mosaic_0001>
#map = affine_map<(d0, d1) -> (0)>
module attributes {stable_mosaic.version = 14 : i64} {
  func.func @_gather_clamp(%arg0: i32, %arg1: i32, %arg2: memref<16384xi32, #tpu.memory_space<hbm>>, %arg3: memref<1000000xf32, #tpu.memory_space<hbm>>, %arg4: memref<16384xf32, #tpu.memory_space<hbm>>, %arg5: memref<512xi32, #tpu.memory_space<vmem>>, %arg6: memref<512xf32, #tpu.memory_space<vmem>>, %arg7: memref<!tpu.dma_semaphore, #tpu.memory_space<semaphore_mem>>, %arg8: memref<!tpu.dma_semaphore, #tpu.memory_space<semaphore_mem>>, %arg9: memref<!tpu.dma_semaphore, #tpu.memory_space<semaphore_mem>>, %arg10: memref<!tpu.dma_semaphore, #tpu.memory_space<semaphore_mem>>, %arg11: memref<!tpu.dma_semaphore, #tpu.memory_space<semaphore_mem>>) attributes {dimension_semantics = [#tpu.dimension_semantics<core_parallel>, #tpu.dimension_semantics<subcore_parallel>], iteration_bounds = array<i64: 2, 16>, scalar_prefetch = 0 : i64, scratch_operands = 7 : i64, tpu.core_type = #tpu.core_type<sc_vector_subcore>, window_params = [{transform_indices = #map}, {transform_indices = #map}, {transform_indices = #map}]} {
    %mul3A = arith.constant 2 : i32
    %mul3A_0 = arith.muli %arg1, %mul3A : i32
    %add3A = arith.addi %mul3A_0, %arg0 : i32
    %mul3A_1 = arith.constant 2 : i32
    %mul3A_2 = arith.muli %add3A, %mul3A_1 : i32
    %mul3A_3 = arith.constant 256 : i32
    %mul3A_4 = arith.muli %mul3A_2, %mul3A_3 : i32
    %add3A_5 = arith.constant 0 : i32
    %add3A_6 = arith.addi %mul3A_4, %add3A_5 : i32
    %dma_start3A = arith.constant 0 : i32
    %dma_start3A_7 = tpu.memref_slice %arg5[%dma_start3A] : memref<512xi32, #tpu.memory_space<vmem>> -> memref<256xi32, #tpu.memory_space<vmem>>
    %dma_start3A_8 = tpu.memref_slice %arg2[%add3A_6] : memref<16384xi32, #tpu.memory_space<hbm>> -> memref<256xi32, #tpu.memory_space<hbm>>
    %dma_start3A_9 = arith.constant 0 : i32
    %dma_start3A_10 = tpu.memref_slice %arg5[%dma_start3A_9] : memref<512xi32, #tpu.memory_space<vmem>> -> memref<256xi32, #tpu.memory_space<vmem>>
    %dma_start3A_11 = tpu.memref_slice %arg2[%add3A_6] : memref<16384xi32, #tpu.memory_space<hbm>> -> memref<256xi32, #tpu.memory_space<hbm>>
    tpu.enqueue_dma source(%dma_start3A_11 : memref<256xi32, #tpu.memory_space<hbm>>) target(%dma_start3A_10 : memref<256xi32, #tpu.memory_space<vmem>>) target_semaphore(%arg7 : memref<!tpu.dma_semaphore, #tpu.memory_space<semaphore_mem>>)
    %add3A_12 = arith.constant 256 : i32
    %add3A_13 = arith.addi %mul3A_4, %add3A_12 : i32
    %dma_start3A_14 = arith.constant 256 : i32
    %dma_start3A_15 = tpu.memref_slice %arg5[%dma_start3A_14] : memref<512xi32, #tpu.memory_space<vmem>> -> memref<256xi32, #tpu.memory_space<vmem>>
    %dma_start3A_16 = tpu.memref_slice %arg2[%add3A_13] : memref<16384xi32, #tpu.memory_space<hbm>> -> memref<256xi32, #tpu.memory_space<hbm>>
    %dma_start3A_17 = arith.constant 256 : i32
    %dma_start3A_18 = tpu.memref_slice %arg5[%dma_start3A_17] : memref<512xi32, #tpu.memory_space<vmem>> -> memref<256xi32, #tpu.memory_space<vmem>>
    %dma_start3A_19 = tpu.memref_slice %arg2[%add3A_13] : memref<16384xi32, #tpu.memory_space<hbm>> -> memref<256xi32, #tpu.memory_space<hbm>>
    tpu.enqueue_dma source(%dma_start3A_19 : memref<256xi32, #tpu.memory_space<hbm>>) target(%dma_start3A_18 : memref<256xi32, #tpu.memory_space<vmem>>) target_semaphore(%arg8 : memref<!tpu.dma_semaphore, #tpu.memory_space<semaphore_mem>>)
    %dma_wait3A = arith.constant 0 : i32
    %dma_wait3A_20 = tpu.memref_slice %arg5[%dma_wait3A] : memref<512xi32, #tpu.memory_space<vmem>> -> memref<256xi32, #tpu.memory_space<vmem>>
    %dma_wait3A_21 = tpu.memref_slice %arg2[%add3A_6] : memref<16384xi32, #tpu.memory_space<hbm>> -> memref<256xi32, #tpu.memory_space<hbm>>
    %dma_wait3A_22 = arith.constant 0 : i32
    %dma_wait3A_23 = tpu.memref_slice %arg5[%dma_wait3A_22] : memref<512xi32, #tpu.memory_space<vmem>> -> memref<256xi32, #tpu.memory_space<vmem>>
    %dma_wait3A_24 = tpu.memref_slice %arg2[%add3A_6] : memref<16384xi32, #tpu.memory_space<hbm>> -> memref<256xi32, #tpu.memory_space<hbm>>
    tpu.wait_dma2 semaphore(%arg7 : memref<!tpu.dma_semaphore, #tpu.memory_space<semaphore_mem>>) src(%dma_wait3A_24 : memref<256xi32, #tpu.memory_space<hbm>>) dst(%dma_wait3A_23 : memref<256xi32, #tpu.memory_space<vmem>>)
    %dma_start3A_25 = arith.constant 0 : i32
    %dma_start3A_26 = tpu.memref_slice %arg6[%dma_start3A_25] : memref<512xf32, #tpu.memory_space<vmem>> -> memref<256xf32, #tpu.memory_space<vmem>>
    %dma_start3A_27 = arith.constant 0 : i32
    %dma_start3A_28 = tpu.memref_slice %arg5[%dma_start3A_27] : memref<512xi32, #tpu.memory_space<vmem>> -> memref<256xi32, #tpu.memory_space<vmem>>
    %dma_start3A_29 = arith.constant 0 : i32
    %dma_start3A_30 = tpu.memref_slice %arg3[%dma_start3A_29] : memref<1000000xf32, #tpu.memory_space<hbm>> -> memref<1000000xf32, #tpu.memory_space<hbm>>
    tpu.enqueue_indirect_dma source(%dma_start3A_30 : memref<1000000xf32, #tpu.memory_space<hbm>>) target(%dma_start3A_26 : memref<256xf32, #tpu.memory_space<vmem>>) offsets(%dma_start3A_28 : memref<256xi32, #tpu.memory_space<vmem>>) semaphore(%arg9 : memref<!tpu.dma_semaphore, #tpu.memory_space<semaphore_mem>>)
    %dma_wait3A_31 = arith.constant 256 : i32
    %dma_wait3A_32 = tpu.memref_slice %arg5[%dma_wait3A_31] : memref<512xi32, #tpu.memory_space<vmem>> -> memref<256xi32, #tpu.memory_space<vmem>>
    %dma_wait3A_33 = tpu.memref_slice %arg2[%add3A_13] : memref<16384xi32, #tpu.memory_space<hbm>> -> memref<256xi32, #tpu.memory_space<hbm>>
    %dma_wait3A_34 = arith.constant 256 : i32
    %dma_wait3A_35 = tpu.memref_slice %arg5[%dma_wait3A_34] : memref<512xi32, #tpu.memory_space<vmem>> -> memref<256xi32, #tpu.memory_space<vmem>>
    %dma_wait3A_36 = tpu.memref_slice %arg2[%add3A_13] : memref<16384xi32, #tpu.memory_space<hbm>> -> memref<256xi32, #tpu.memory_space<hbm>>
    tpu.wait_dma2 semaphore(%arg8 : memref<!tpu.dma_semaphore, #tpu.memory_space<semaphore_mem>>) src(%dma_wait3A_36 : memref<256xi32, #tpu.memory_space<hbm>>) dst(%dma_wait3A_35 : memref<256xi32, #tpu.memory_space<vmem>>)
    %dma_start3A_37 = arith.constant 256 : i32
    %dma_start3A_38 = tpu.memref_slice %arg6[%dma_start3A_37] : memref<512xf32, #tpu.memory_space<vmem>> -> memref<256xf32, #tpu.memory_space<vmem>>
    %dma_start3A_39 = arith.constant 256 : i32
    %dma_start3A_40 = tpu.memref_slice %arg5[%dma_start3A_39] : memref<512xi32, #tpu.memory_space<vmem>> -> memref<256xi32, #tpu.memory_space<vmem>>
    %dma_start3A_41 = arith.constant 0 : i32
    %dma_start3A_42 = tpu.memref_slice %arg3[%dma_start3A_41] : memref<1000000xf32, #tpu.memory_space<hbm>> -> memref<1000000xf32, #tpu.memory_space<hbm>>
    tpu.enqueue_indirect_dma source(%dma_start3A_42 : memref<1000000xf32, #tpu.memory_space<hbm>>) target(%dma_start3A_38 : memref<256xf32, #tpu.memory_space<vmem>>) offsets(%dma_start3A_40 : memref<256xi32, #tpu.memory_space<vmem>>) semaphore(%arg10 : memref<!tpu.dma_semaphore, #tpu.memory_space<semaphore_mem>>)
    %dma_wait3A_43 = arith.constant 0 : i32
    %dma_wait3A_44 = tpu.memref_slice %arg6[%dma_wait3A_43] : memref<512xf32, #tpu.memory_space<vmem>> -> memref<256xf32, #tpu.memory_space<vmem>>
    %dma_wait3A_45 = arith.constant 0 : i32
    %dma_wait3A_46 = tpu.memref_slice %arg5[%dma_wait3A_45] : memref<512xi32, #tpu.memory_space<vmem>> -> memref<256xi32, #tpu.memory_space<vmem>>
    %dma_wait3A_47 = arith.constant 0 : i32
    %dma_wait3A_48 = tpu.memref_slice %arg3[%dma_wait3A_47] : memref<1000000xf32, #tpu.memory_space<hbm>> -> memref<1000000xf32, #tpu.memory_space<hbm>>
    tpu.wait_indirect_dma semaphore(%arg9 : memref<!tpu.dma_semaphore, #tpu.memory_space<semaphore_mem>>) src(%dma_wait3A_48 : memref<1000000xf32, #tpu.memory_space<hbm>>) dst(%dma_wait3A_44 : memref<256xf32, #tpu.memory_space<vmem>>)
    %get3A = arith.constant 0 : index
    %get3A_49 = tpu.vector_load %arg6[%get3A] {strides = array<i32>} : memref<512xf32, #tpu.memory_space<vmem>>, vector<16xf32>,
    %get3A_50 = vector.shape_cast %get3A_49 : vector<16xf32> to vector<16xf32>
    %max3A = arith.constant 0.000000e+00 : f32
    %max3A_51 = vector.broadcast %max3A : f32 to vector<16xf32>
    %max3A_52 = arith.maximumf %get3A_50, %max3A_51 : vector<16xf32>
    %min3A = arith.constant 2.000000e+00 : f32
    %min3A_53 = vector.broadcast %min3A : f32 to vector<16xf32>
    %min3A_54 = arith.minimumf %max3A_52, %min3A_53 : vector<16xf32>
    %swap3A = arith.constant 0 : index
    %swap3A_55 = tpu.vector_load %arg6[%swap3A] {strides = array<i32>} : memref<512xf32, #tpu.memory_space<vmem>>, vector<16xf32>,
    %swap3A_56 = vector.shape_cast %swap3A_55 : vector<16xf32> to vector<16xf32>
    %swap3A_57 = vector.shape_cast %min3A_54 : vector<16xf32> to vector<16xf32>
    tpu.vector_store %arg6[%swap3A], %swap3A_57 {strides = array<i32>} : memref<512xf32, #tpu.memory_space<vmem>>, vector<16xf32>,
    %get3A_58 = arith.constant 16 : index
    %get3A_59 = tpu.vector_load %arg6[%get3A_58] {strides = array<i32>} : memref<512xf32, #tpu.memory_space<vmem>>, vector<16xf32>,
    %get3A_60 = vector.shape_cast %get3A_59 : vector<16xf32> to vector<16xf32>
    %max3A_61 = arith.constant 0.000000e+00 : f32
    %max3A_62 = vector.broadcast %max3A_61 : f32 to vector<16xf32>
    %max3A_63 = arith.maximumf %get3A_60, %max3A_62 : vector<16xf32>
    %min3A_64 = arith.constant 2.000000e+00 : f32
    %min3A_65 = vector.broadcast %min3A_64 : f32 to vector<16xf32>
    %min3A_66 = arith.minimumf %max3A_63, %min3A_65 : vector<16xf32>
    %swap3A_67 = arith.constant 16 : index
    %swap3A_68 = tpu.vector_load %arg6[%swap3A_67] {strides = array<i32>} : memref<512xf32, #tpu.memory_space<vmem>>, vector<16xf32>,
    %swap3A_69 = vector.shape_cast %swap3A_68 : vector<16xf32> to vector<16xf32>
    %swap3A_70 = vector.shape_cast %min3A_66 : vector<16xf32> to vector<16xf32>
    tpu.vector_store %arg6[%swap3A_67], %swap3A_70 {strides = array<i32>} : memref<512xf32, #tpu.memory_space<vmem>>, vector<16xf32>,
    %get3A_71 = arith.constant 32 : index
    %get3A_72 = tpu.vector_load %arg6[%get3A_71] {strides = array<i32>} : memref<512xf32, #tpu.memory_space<vmem>>, vector<16xf32>,
    %get3A_73 = vector.shape_cast %get3A_72 : vector<16xf32> to vector<16xf32>
    %max3A_74 = arith.constant 0.000000e+00 : f32
    %max3A_75 = vector.broadcast %max3A_74 : f32 to vector<16xf32>
    %max3A_76 = arith.maximumf %get3A_73, %max3A_75 : vector<16xf32>
    %min3A_77 = arith.constant 2.000000e+00 : f32
    %min3A_78 = vector.broadcast %min3A_77 : f32 to vector<16xf32>
    %min3A_79 = arith.minimumf %max3A_76, %min3A_78 : vector<16xf32>
    %swap3A_80 = arith.constant 32 : index
    %swap3A_81 = tpu.vector_load %arg6[%swap3A_80] {strides = array<i32>} : memref<512xf32, #tpu.memory_space<vmem>>, vector<16xf32>,
    %swap3A_82 = vector.shape_cast %swap3A_81 : vector<16xf32> to vector<16xf32>
    %swap3A_83 = vector.shape_cast %min3A_79 : vector<16xf32> to vector<16xf32>
    tpu.vector_store %arg6[%swap3A_80], %swap3A_83 {strides = array<i32>} : memref<512xf32, #tpu.memory_space<vmem>>, vector<16xf32>,
    %get3A_84 = arith.constant 48 : index
    %get3A_85 = tpu.vector_load %arg6[%get3A_84] {strides = array<i32>} : memref<512xf32, #tpu.memory_space<vmem>>, vector<16xf32>,
    %get3A_86 = vector.shape_cast %get3A_85 : vector<16xf32> to vector<16xf32>
    %max3A_87 = arith.constant 0.000000e+00 : f32
    %max3A_88 = vector.broadcast %max3A_87 : f32 to vector<16xf32>
    %max3A_89 = arith.maximumf %get3A_86, %max3A_88 : vector<16xf32>
    %min3A_90 = arith.constant 2.000000e+00 : f32
    %min3A_91 = vector.broadcast %min3A_90 : f32 to vector<16xf32>
    %min3A_92 = arith.minimumf %max3A_89, %min3A_91 : vector<16xf32>
    %swap3A_93 = arith.constant 48 : index
    %swap3A_94 = tpu.vector_load %arg6[%swap3A_93] {strides = array<i32>} : memref<512xf32, #tpu.memory_space<vmem>>, vector<16xf32>,
    %swap3A_95 = vector.shape_cast %swap3A_94 : vector<16xf32> to vector<16xf32>
    %swap3A_96 = vector.shape_cast %min3A_92 : vector<16xf32> to vector<16xf32>
    tpu.vector_store %arg6[%swap3A_93], %swap3A_96 {strides = array<i32>} : memref<512xf32, #tpu.memory_space<vmem>>, vector<16xf32>,
    %get3A_97 = arith.constant 64 : index
    %get3A_98 = tpu.vector_load %arg6[%get3A_97] {strides = array<i32>} : memref<512xf32, #tpu.memory_space<vmem>>, vector<16xf32>,
    %get3A_99 = vector.shape_cast %get3A_98 : vector<16xf32> to vector<16xf32>
    %max3A_100 = arith.constant 0.000000e+00 : f32
    %max3A_101 = vector.broadcast %max3A_100 : f32 to vector<16xf32>
    %max3A_102 = arith.maximumf %get3A_99, %max3A_101 : vector<16xf32>
    %min3A_103 = arith.constant 2.000000e+00 : f32
    %min3A_104 = vector.broadcast %min3A_103 : f32 to vector<16xf32>
    %min3A_105 = arith.minimumf %max3A_102, %min3A_104 : vector<16xf32>
    %swap3A_106 = arith.constant 64 : index
    %swap3A_107 = tpu.vector_load %arg6[%swap3A_106] {strides = array<i32>} : memref<512xf32, #tpu.memory_space<vmem>>, vector<16xf32>,
    %swap3A_108 = vector.shape_cast %swap3A_107 : vector<16xf32> to vector<16xf32>
    %swap3A_109 = vector.shape_cast %min3A_105 : vector<16xf32> to vector<16xf32>
    tpu.vector_store %arg6[%swap3A_106], %swap3A_109 {strides = array<i32>} : memref<512xf32, #tpu.memory_space<vmem>>, vector<16xf32>,
    %get3A_110 = arith.constant 80 : index
    %get3A_111 = tpu.vector_load %arg6[%get3A_110] {strides = array<i32>} : memref<512xf32, #tpu.memory_space<vmem>>, vector<16xf32>,
    %get3A_112 = vector.shape_cast %get3A_111 : vector<16xf32> to vector<16xf32>
    %max3A_113 = arith.constant 0.000000e+00 : f32
    %max3A_114 = vector.broadcast %max3A_113 : f32 to vector<16xf32>
    %max3A_115 = arith.maximumf %get3A_112, %max3A_114 : vector<16xf32>
    %min3A_116 = arith.constant 2.000000e+00 : f32
    %min3A_117 = vector.broadcast %min3A_116 : f32 to vector<16xf32>
    %min3A_118 = arith.minimumf %max3A_115, %min3A_117 : vector<16xf32>
    %swap3A_119 = arith.constant 80 : index
    %swap3A_120 = tpu.vector_load %arg6[%swap3A_119] {strides = array<i32>} : memref<512xf32, #tpu.memory_space<vmem>>, vector<16xf32>,
    %swap3A_121 = vector.shape_cast %swap3A_120 : vector<16xf32> to vector<16xf32>
    %swap3A_122 = vector.shape_cast %min3A_118 : vector<16xf32> to vector<16xf32>
    tpu.vector_store %arg6[%swap3A_119], %swap3A_122 {strides = array<i32>} : memref<512xf32, #tpu.memory_space<vmem>>, vector<16xf32>,
    %get3A_123 = arith.constant 96 : index
    %get3A_124 = tpu.vector_load %arg6[%get3A_123] {strides = array<i32>} : memref<512xf32, #tpu.memory_space<vmem>>, vector<16xf32>,
    %get3A_125 = vector.shape_cast %get3A_124 : vector<16xf32> to vector<16xf32>
    %max3A_126 = arith.constant 0.000000e+00 : f32
    %max3A_127 = vector.broadcast %max3A_126 : f32 to vector<16xf32>
    %max3A_128 = arith.maximumf %get3A_125, %max3A_127 : vector<16xf32>
    %min3A_129 = arith.constant 2.000000e+00 : f32
    %min3A_130 = vector.broadcast %min3A_129 : f32 to vector<16xf32>
    %min3A_131 = arith.minimumf %max3A_128, %min3A_130 : vector<16xf32>
    %swap3A_132 = arith.constant 96 : index
    %swap3A_133 = tpu.vector_load %arg6[%swap3A_132] {strides = array<i32>} : memref<512xf32, #tpu.memory_space<vmem>>, vector<16xf32>,
    %swap3A_134 = vector.shape_cast %swap3A_133 : vector<16xf32> to vector<16xf32>
    %swap3A_135 = vector.shape_cast %min3A_131 : vector<16xf32> to vector<16xf32>
    tpu.vector_store %arg6[%swap3A_132], %swap3A_135 {strides = array<i32>} : memref<512xf32, #tpu.memory_space<vmem>>, vector<16xf32>,
    %get3A_136 = arith.constant 112 : index
    %get3A_137 = tpu.vector_load %arg6[%get3A_136] {strides = array<i32>} : memref<512xf32, #tpu.memory_space<vmem>>, vector<16xf32>,
    %get3A_138 = vector.shape_cast %get3A_137 : vector<16xf32> to vector<16xf32>
    %max3A_139 = arith.constant 0.000000e+00 : f32
    %max3A_140 = vector.broadcast %max3A_139 : f32 to vector<16xf32>
    %max3A_141 = arith.maximumf %get3A_138, %max3A_140 : vector<16xf32>
    %min3A_142 = arith.constant 2.000000e+00 : f32
    %min3A_143 = vector.broadcast %min3A_142 : f32 to vector<16xf32>
    %min3A_144 = arith.minimumf %max3A_141, %min3A_143 : vector<16xf32>
    %swap3A_145 = arith.constant 112 : index
    %swap3A_146 = tpu.vector_load %arg6[%swap3A_145] {strides = array<i32>} : memref<512xf32, #tpu.memory_space<vmem>>, vector<16xf32>,
    %swap3A_147 = vector.shape_cast %swap3A_146 : vector<16xf32> to vector<16xf32>
    %swap3A_148 = vector.shape_cast %min3A_144 : vector<16xf32> to vector<16xf32>
    tpu.vector_store %arg6[%swap3A_145], %swap3A_148 {strides = array<i32>} : memref<512xf32, #tpu.memory_space<vmem>>, vector<16xf32>,
    %get3A_149 = arith.constant 128 : index
    %get3A_150 = tpu.vector_load %arg6[%get3A_149] {strides = array<i32>} : memref<512xf32, #tpu.memory_space<vmem>>, vector<16xf32>,
    %get3A_151 = vector.shape_cast %get3A_150 : vector<16xf32> to vector<16xf32>
    %max3A_152 = arith.constant 0.000000e+00 : f32
    %max3A_153 = vector.broadcast %max3A_152 : f32 to vector<16xf32>
    %max3A_154 = arith.maximumf %get3A_151, %max3A_153 : vector<16xf32>
    %min3A_155 = arith.constant 2.000000e+00 : f32
    %min3A_156 = vector.broadcast %min3A_155 : f32 to vector<16xf32>
    %min3A_157 = arith.minimumf %max3A_154, %min3A_156 : vector<16xf32>
    %swap3A_158 = arith.constant 128 : index
    %swap3A_159 = tpu.vector_load %arg6[%swap3A_158] {strides = array<i32>} : memref<512xf32, #tpu.memory_space<vmem>>, vector<16xf32>,
    %swap3A_160 = vector.shape_cast %swap3A_159 : vector<16xf32> to vector<16xf32>
    %swap3A_161 = vector.shape_cast %min3A_157 : vector<16xf32> to vector<16xf32>
    tpu.vector_store %arg6[%swap3A_158], %swap3A_161 {strides = array<i32>} : memref<512xf32, #tpu.memory_space<vmem>>, vector<16xf32>,
    %get3A_162 = arith.constant 144 : index
    %get3A_163 = tpu.vector_load %arg6[%get3A_162] {strides = array<i32>} : memref<512xf32, #tpu.memory_space<vmem>>, vector<16xf32>,
    %get3A_164 = vector.shape_cast %get3A_163 : vector<16xf32> to vector<16xf32>
    %max3A_165 = arith.constant 0.000000e+00 : f32
    %max3A_166 = vector.broadcast %max3A_165 : f32 to vector<16xf32>
    %max3A_167 = arith.maximumf %get3A_164, %max3A_166 : vector<16xf32>
    %min3A_168 = arith.constant 2.000000e+00 : f32
    %min3A_169 = vector.broadcast %min3A_168 : f32 to vector<16xf32>
    %min3A_170 = arith.minimumf %max3A_167, %min3A_169 : vector<16xf32>
    %swap3A_171 = arith.constant 144 : index
    %swap3A_172 = tpu.vector_load %arg6[%swap3A_171] {strides = array<i32>} : memref<512xf32, #tpu.memory_space<vmem>>, vector<16xf32>,
    %swap3A_173 = vector.shape_cast %swap3A_172 : vector<16xf32> to vector<16xf32>
    %swap3A_174 = vector.shape_cast %min3A_170 : vector<16xf32> to vector<16xf32>
    tpu.vector_store %arg6[%swap3A_171], %swap3A_174 {strides = array<i32>} : memref<512xf32, #tpu.memory_space<vmem>>, vector<16xf32>,
    %get3A_175 = arith.constant 160 : index
    %get3A_176 = tpu.vector_load %arg6[%get3A_175] {strides = array<i32>} : memref<512xf32, #tpu.memory_space<vmem>>, vector<16xf32>,
    %get3A_177 = vector.shape_cast %get3A_176 : vector<16xf32> to vector<16xf32>
    %max3A_178 = arith.constant 0.000000e+00 : f32
    %max3A_179 = vector.broadcast %max3A_178 : f32 to vector<16xf32>
    %max3A_180 = arith.maximumf %get3A_177, %max3A_179 : vector<16xf32>
    %min3A_181 = arith.constant 2.000000e+00 : f32
    %min3A_182 = vector.broadcast %min3A_181 : f32 to vector<16xf32>
    %min3A_183 = arith.minimumf %max3A_180, %min3A_182 : vector<16xf32>
    %swap3A_184 = arith.constant 160 : index
    %swap3A_185 = tpu.vector_load %arg6[%swap3A_184] {strides = array<i32>} : memref<512xf32, #tpu.memory_space<vmem>>, vector<16xf32>,
    %swap3A_186 = vector.shape_cast %swap3A_185 : vector<16xf32> to vector<16xf32>
    %swap3A_187 = vector.shape_cast %min3A_183 : vector<16xf32> to vector<16xf32>
    tpu.vector_store %arg6[%swap3A_184], %swap3A_187 {strides = array<i32>} : memref<512xf32, #tpu.memory_space<vmem>>, vector<16xf32>,
    %get3A_188 = arith.constant 176 : index
    %get3A_189 = tpu.vector_load %arg6[%get3A_188] {strides = array<i32>} : memref<512xf32, #tpu.memory_space<vmem>>, vector<16xf32>,
    %get3A_190 = vector.shape_cast %get3A_189 : vector<16xf32> to vector<16xf32>
    %max3A_191 = arith.constant 0.000000e+00 : f32
    %max3A_192 = vector.broadcast %max3A_191 : f32 to vector<16xf32>
    %max3A_193 = arith.maximumf %get3A_190, %max3A_192 : vector<16xf32>
    %min3A_194 = arith.constant 2.000000e+00 : f32
    %min3A_195 = vector.broadcast %min3A_194 : f32 to vector<16xf32>
    %min3A_196 = arith.minimumf %max3A_193, %min3A_195 : vector<16xf32>
    %swap3A_197 = arith.constant 176 : index
    %swap3A_198 = tpu.vector_load %arg6[%swap3A_197] {strides = array<i32>} : memref<512xf32, #tpu.memory_space<vmem>>, vector<16xf32>,
    %swap3A_199 = vector.shape_cast %swap3A_198 : vector<16xf32> to vector<16xf32>
    %swap3A_200 = vector.shape_cast %min3A_196 : vector<16xf32> to vector<16xf32>
    tpu.vector_store %arg6[%swap3A_197], %swap3A_200 {strides = array<i32>} : memref<512xf32, #tpu.memory_space<vmem>>, vector<16xf32>,
    %get3A_201 = arith.constant 192 : index
    %get3A_202 = tpu.vector_load %arg6[%get3A_201] {strides = array<i32>} : memref<512xf32, #tpu.memory_space<vmem>>, vector<16xf32>,
    %get3A_203 = vector.shape_cast %get3A_202 : vector<16xf32> to vector<16xf32>
    %max3A_204 = arith.constant 0.000000e+00 : f32
    %max3A_205 = vector.broadcast %max3A_204 : f32 to vector<16xf32>
    %max3A_206 = arith.maximumf %get3A_203, %max3A_205 : vector<16xf32>
    %min3A_207 = arith.constant 2.000000e+00 : f32
    %min3A_208 = vector.broadcast %min3A_207 : f32 to vector<16xf32>
    %min3A_209 = arith.minimumf %max3A_206, %min3A_208 : vector<16xf32>
    %swap3A_210 = arith.constant 192 : index
    %swap3A_211 = tpu.vector_load %arg6[%swap3A_210] {strides = array<i32>} : memref<512xf32, #tpu.memory_space<vmem>>, vector<16xf32>,
    %swap3A_212 = vector.shape_cast %swap3A_211 : vector<16xf32> to vector<16xf32>
    %swap3A_213 = vector.shape_cast %min3A_209 : vector<16xf32> to vector<16xf32>
    tpu.vector_store %arg6[%swap3A_210], %swap3A_213 {strides = array<i32>} : memref<512xf32, #tpu.memory_space<vmem>>, vector<16xf32>,
    %get3A_214 = arith.constant 208 : index
    %get3A_215 = tpu.vector_load %arg6[%get3A_214] {strides = array<i32>} : memref<512xf32, #tpu.memory_space<vmem>>, vector<16xf32>,
    %get3A_216 = vector.shape_cast %get3A_215 : vector<16xf32> to vector<16xf32>
    %max3A_217 = arith.constant 0.000000e+00 : f32
    %max3A_218 = vector.broadcast %max3A_217 : f32 to vector<16xf32>
    %max3A_219 = arith.maximumf %get3A_216, %max3A_218 : vector<16xf32>
    %min3A_220 = arith.constant 2.000000e+00 : f32
    %min3A_221 = vector.broadcast %min3A_220 : f32 to vector<16xf32>
    %min3A_222 = arith.minimumf %max3A_219, %min3A_221 : vector<16xf32>
    %swap3A_223 = arith.constant 208 : index
    %swap3A_224 = tpu.vector_load %arg6[%swap3A_223] {strides = array<i32>} : memref<512xf32, #tpu.memory_space<vmem>>, vector<16xf32>,
    %swap3A_225 = vector.shape_cast %swap3A_224 : vector<16xf32> to vector<16xf32>
    %swap3A_226 = vector.shape_cast %min3A_222 : vector<16xf32> to vector<16xf32>
    tpu.vector_store %arg6[%swap3A_223], %swap3A_226 {strides = array<i32>} : memref<512xf32, #tpu.memory_space<vmem>>, vector<16xf32>,
    %get3A_227 = arith.constant 224 : index
    %get3A_228 = tpu.vector_load %arg6[%get3A_227] {strides = array<i32>} : memref<512xf32, #tpu.memory_space<vmem>>, vector<16xf32>,
    %get3A_229 = vector.shape_cast %get3A_228 : vector<16xf32> to vector<16xf32>
    %max3A_230 = arith.constant 0.000000e+00 : f32
    %max3A_231 = vector.broadcast %max3A_230 : f32 to vector<16xf32>
    %max3A_232 = arith.maximumf %get3A_229, %max3A_231 : vector<16xf32>
    %min3A_233 = arith.constant 2.000000e+00 : f32
    %min3A_234 = vector.broadcast %min3A_233 : f32 to vector<16xf32>
    %min3A_235 = arith.minimumf %max3A_232, %min3A_234 : vector<16xf32>
    %swap3A_236 = arith.constant 224 : index
    %swap3A_237 = tpu.vector_load %arg6[%swap3A_236] {strides = array<i32>} : memref<512xf32, #tpu.memory_space<vmem>>, vector<16xf32>,
    %swap3A_238 = vector.shape_cast %swap3A_237 : vector<16xf32> to vector<16xf32>
    %swap3A_239 = vector.shape_cast %min3A_235 : vector<16xf32> to vector<16xf32>
    tpu.vector_store %arg6[%swap3A_236], %swap3A_239 {strides = array<i32>} : memref<512xf32, #tpu.memory_space<vmem>>, vector<16xf32>,
    %get3A_240 = arith.constant 240 : index
    %get3A_241 = tpu.vector_load %arg6[%get3A_240] {strides = array<i32>} : memref<512xf32, #tpu.memory_space<vmem>>, vector<16xf32>,
    %get3A_242 = vector.shape_cast %get3A_241 : vector<16xf32> to vector<16xf32>
    %max3A_243 = arith.constant 0.000000e+00 : f32
    %max3A_244 = vector.broadcast %max3A_243 : f32 to vector<16xf32>
    %max3A_245 = arith.maximumf %get3A_242, %max3A_244 : vector<16xf32>
    %min3A_246 = arith.constant 2.000000e+00 : f32
    %min3A_247 = vector.broadcast %min3A_246 : f32 to vector<16xf32>
    %min3A_248 = arith.minimumf %max3A_245, %min3A_247 : vector<16xf32>
    %swap3A_249 = arith.constant 240 : index
    %swap3A_250 = tpu.vector_load %arg6[%swap3A_249] {strides = array<i32>} : memref<512xf32, #tpu.memory_space<vmem>>, vector<16xf32>,
    %swap3A_251 = vector.shape_cast %swap3A_250 : vector<16xf32> to vector<16xf32>
    %swap3A_252 = vector.shape_cast %min3A_248 : vector<16xf32> to vector<16xf32>
    tpu.vector_store %arg6[%swap3A_249], %swap3A_252 {strides = array<i32>} : memref<512xf32, #tpu.memory_space<vmem>>, vector<16xf32>,
    %add3A_253 = arith.constant 0 : i32
    %add3A_254 = arith.addi %mul3A_4, %add3A_253 : i32
    %dma_start3A_255 = arith.constant 0 : i32
    %dma_start3A_256 = tpu.memref_slice %arg6[%dma_start3A_255] : memref<512xf32, #tpu.memory_space<vmem>> -> memref<256xf32, #tpu.memory_space<vmem>>
    %dma_start3A_257 = tpu.memref_slice %arg4[%add3A_254] : memref<16384xf32, #tpu.memory_space<hbm>> -> memref<256xf32, #tpu.memory_space<hbm>>
    %dma_start3A_258 = tpu.memref_slice %arg4[%add3A_254] : memref<16384xf32, #tpu.memory_space<hbm>> -> memref<256xf32, #tpu.memory_space<hbm>>
    %dma_start3A_259 = arith.constant 0 : i32
    %dma_start3A_260 = tpu.memref_slice %arg6[%dma_start3A_259] : memref<512xf32, #tpu.memory_space<vmem>> -> memref<256xf32, #tpu.memory_space<vmem>>
    tpu.enqueue_dma source(%dma_start3A_260 : memref<256xf32, #tpu.memory_space<vmem>>) target(%dma_start3A_258 : memref<256xf32, #tpu.memory_space<hbm>>) target_semaphore(%arg11 : memref<!tpu.dma_semaphore, #tpu.memory_space<semaphore_mem>>)
    %dma_wait3A_261 = arith.constant 256 : i32
    %dma_wait3A_262 = tpu.memref_slice %arg6[%dma_wait3A_261] : memref<512xf32, #tpu.memory_space<vmem>> -> memref<256xf32, #tpu.memory_space<vmem>>
    %dma_wait3A_263 = arith.constant 256 : i32
    %dma_wait3A_264 = tpu.memref_slice %arg5[%dma_wait3A_263] : memref<512xi32, #tpu.memory_space<vmem>> -> memref<256xi32, #tpu.memory_space<vmem>>
    %dma_wait3A_265 = arith.constant 0 : i32
    %dma_wait3A_266 = tpu.memref_slice %arg3[%dma_wait3A_265] : memref<1000000xf32, #tpu.memory_space<hbm>> -> memref<1000000xf32, #tpu.memory_space<hbm>>
    tpu.wait_indirect_dma semaphore(%arg10 : memref<!tpu.dma_semaphore, #tpu.memory_space<semaphore_mem>>) src(%dma_wait3A_266 : memref<1000000xf32, #tpu.memory_space<hbm>>) dst(%dma_wait3A_262 : memref<256xf32, #tpu.memory_space<vmem>>)
    %get3A_267 = arith.constant 256 : index
    %get3A_268 = tpu.vector_load %arg6[%get3A_267] {strides = array<i32>} : memref<512xf32, #tpu.memory_space<vmem>>, vector<16xf32>,
    %get3A_269 = vector.shape_cast %get3A_268 : vector<16xf32> to vector<16xf32>
    %max3A_270 = arith.constant 0.000000e+00 : f32
    %max3A_271 = vector.broadcast %max3A_270 : f32 to vector<16xf32>
    %max3A_272 = arith.maximumf %get3A_269, %max3A_271 : vector<16xf32>
    %min3A_273 = arith.constant 2.000000e+00 : f32
    %min3A_274 = vector.broadcast %min3A_273 : f32 to vector<16xf32>
    %min3A_275 = arith.minimumf %max3A_272, %min3A_274 : vector<16xf32>
    %swap3A_276 = arith.constant 256 : index
    %swap3A_277 = tpu.vector_load %arg6[%swap3A_276] {strides = array<i32>} : memref<512xf32, #tpu.memory_space<vmem>>, vector<16xf32>,
    %swap3A_278 = vector.shape_cast %swap3A_277 : vector<16xf32> to vector<16xf32>
    %swap3A_279 = vector.shape_cast %min3A_275 : vector<16xf32> to vector<16xf32>
    tpu.vector_store %arg6[%swap3A_276], %swap3A_279 {strides = array<i32>} : memref<512xf32, #tpu.memory_space<vmem>>, vector<16xf32>,
    %get3A_280 = arith.constant 272 : index
    %get3A_281 = tpu.vector_load %arg6[%get3A_280] {strides = array<i32>} : memref<512xf32, #tpu.memory_space<vmem>>, vector<16xf32>,
    %get3A_282 = vector.shape_cast %get3A_281 : vector<16xf32> to vector<16xf32>
    %max3A_283 = arith.constant 0.000000e+00 : f32
    %max3A_284 = vector.broadcast %max3A_283 : f32 to vector<16xf32>
    %max3A_285 = arith.maximumf %get3A_282, %max3A_284 : vector<16xf32>
    %min3A_286 = arith.constant 2.000000e+00 : f32
    %min3A_287 = vector.broadcast %min3A_286 : f32 to vector<16xf32>
    %min3A_288 = arith.minimumf %max3A_285, %min3A_287 : vector<16xf32>
    %swap3A_289 = arith.constant 272 : index
    %swap3A_290 = tpu.vector_load %arg6[%swap3A_289] {strides = array<i32>} : memref<512xf32, #tpu.memory_space<vmem>>, vector<16xf32>,
    %swap3A_291 = vector.shape_cast %swap3A_290 : vector<16xf32> to vector<16xf32>
    %swap3A_292 = vector.shape_cast %min3A_288 : vector<16xf32> to vector<16xf32>
    tpu.vector_store %arg6[%swap3A_289], %swap3A_292 {strides = array<i32>} : memref<512xf32, #tpu.memory_space<vmem>>, vector<16xf32>,
    %get3A_293 = arith.constant 288 : index
    %get3A_294 = tpu.vector_load %arg6[%get3A_293] {strides = array<i32>} : memref<512xf32, #tpu.memory_space<vmem>>, vector<16xf32>,
    %get3A_295 = vector.shape_cast %get3A_294 : vector<16xf32> to vector<16xf32>
    %max3A_296 = arith.constant 0.000000e+00 : f32
    %max3A_297 = vector.broadcast %max3A_296 : f32 to vector<16xf32>
    %max3A_298 = arith.maximumf %get3A_295, %max3A_297 : vector<16xf32>
    %min3A_299 = arith.constant 2.000000e+00 : f32
    %min3A_300 = vector.broadcast %min3A_299 : f32 to vector<16xf32>
    %min3A_301 = arith.minimumf %max3A_298, %min3A_300 : vector<16xf32>
    %swap3A_302 = arith.constant 288 : index
    %swap3A_303 = tpu.vector_load %arg6[%swap3A_302] {strides = array<i32>} : memref<512xf32, #tpu.memory_space<vmem>>, vector<16xf32>,
    %swap3A_304 = vector.shape_cast %swap3A_303 : vector<16xf32> to vector<16xf32>
    %swap3A_305 = vector.shape_cast %min3A_301 : vector<16xf32> to vector<16xf32>
    tpu.vector_store %arg6[%swap3A_302], %swap3A_305 {strides = array<i32>} : memref<512xf32, #tpu.memory_space<vmem>>, vector<16xf32>,
    %get3A_306 = arith.constant 304 : index
    %get3A_307 = tpu.vector_load %arg6[%get3A_306] {strides = array<i32>} : memref<512xf32, #tpu.memory_space<vmem>>, vector<16xf32>,
    %get3A_308 = vector.shape_cast %get3A_307 : vector<16xf32> to vector<16xf32>
    %max3A_309 = arith.constant 0.000000e+00 : f32
    %max3A_310 = vector.broadcast %max3A_309 : f32 to vector<16xf32>
    %max3A_311 = arith.maximumf %get3A_308, %max3A_310 : vector<16xf32>
    %min3A_312 = arith.constant 2.000000e+00 : f32
    %min3A_313 = vector.broadcast %min3A_312 : f32 to vector<16xf32>
    %min3A_314 = arith.minimumf %max3A_311, %min3A_313 : vector<16xf32>
    %swap3A_315 = arith.constant 304 : index
    %swap3A_316 = tpu.vector_load %arg6[%swap3A_315] {strides = array<i32>} : memref<512xf32, #tpu.memory_space<vmem>>, vector<16xf32>,
    %swap3A_317 = vector.shape_cast %swap3A_316 : vector<16xf32> to vector<16xf32>
    %swap3A_318 = vector.shape_cast %min3A_314 : vector<16xf32> to vector<16xf32>
    tpu.vector_store %arg6[%swap3A_315], %swap3A_318 {strides = array<i32>} : memref<512xf32, #tpu.memory_space<vmem>>, vector<16xf32>,
    %get3A_319 = arith.constant 320 : index
    %get3A_320 = tpu.vector_load %arg6[%get3A_319] {strides = array<i32>} : memref<512xf32, #tpu.memory_space<vmem>>, vector<16xf32>,
    %get3A_321 = vector.shape_cast %get3A_320 : vector<16xf32> to vector<16xf32>
    %max3A_322 = arith.constant 0.000000e+00 : f32
    %max3A_323 = vector.broadcast %max3A_322 : f32 to vector<16xf32>
    %max3A_324 = arith.maximumf %get3A_321, %max3A_323 : vector<16xf32>
    %min3A_325 = arith.constant 2.000000e+00 : f32
    %min3A_326 = vector.broadcast %min3A_325 : f32 to vector<16xf32>
    %min3A_327 = arith.minimumf %max3A_324, %min3A_326 : vector<16xf32>
    %swap3A_328 = arith.constant 320 : index
    %swap3A_329 = tpu.vector_load %arg6[%swap3A_328] {strides = array<i32>} : memref<512xf32, #tpu.memory_space<vmem>>, vector<16xf32>,
    %swap3A_330 = vector.shape_cast %swap3A_329 : vector<16xf32> to vector<16xf32>
    %swap3A_331 = vector.shape_cast %min3A_327 : vector<16xf32> to vector<16xf32>
    tpu.vector_store %arg6[%swap3A_328], %swap3A_331 {strides = array<i32>} : memref<512xf32, #tpu.memory_space<vmem>>, vector<16xf32>,
    %get3A_332 = arith.constant 336 : index
    %get3A_333 = tpu.vector_load %arg6[%get3A_332] {strides = array<i32>} : memref<512xf32, #tpu.memory_space<vmem>>, vector<16xf32>,
    %get3A_334 = vector.shape_cast %get3A_333 : vector<16xf32> to vector<16xf32>
    %max3A_335 = arith.constant 0.000000e+00 : f32
    %max3A_336 = vector.broadcast %max3A_335 : f32 to vector<16xf32>
    %max3A_337 = arith.maximumf %get3A_334, %max3A_336 : vector<16xf32>
    %min3A_338 = arith.constant 2.000000e+00 : f32
    %min3A_339 = vector.broadcast %min3A_338 : f32 to vector<16xf32>
    %min3A_340 = arith.minimumf %max3A_337, %min3A_339 : vector<16xf32>
    %swap3A_341 = arith.constant 336 : index
    %swap3A_342 = tpu.vector_load %arg6[%swap3A_341] {strides = array<i32>} : memref<512xf32, #tpu.memory_space<vmem>>, vector<16xf32>,
    %swap3A_343 = vector.shape_cast %swap3A_342 : vector<16xf32> to vector<16xf32>
    %swap3A_344 = vector.shape_cast %min3A_340 : vector<16xf32> to vector<16xf32>
    tpu.vector_store %arg6[%swap3A_341], %swap3A_344 {strides = array<i32>} : memref<512xf32, #tpu.memory_space<vmem>>, vector<16xf32>,
    %get3A_345 = arith.constant 352 : index
    %get3A_346 = tpu.vector_load %arg6[%get3A_345] {strides = array<i32>} : memref<512xf32, #tpu.memory_space<vmem>>, vector<16xf32>,
    %get3A_347 = vector.shape_cast %get3A_346 : vector<16xf32> to vector<16xf32>
    %max3A_348 = arith.constant 0.000000e+00 : f32
    %max3A_349 = vector.broadcast %max3A_348 : f32 to vector<16xf32>
    %max3A_350 = arith.maximumf %get3A_347, %max3A_349 : vector<16xf32>
    %min3A_351 = arith.constant 2.000000e+00 : f32
    %min3A_352 = vector.broadcast %min3A_351 : f32 to vector<16xf32>
    %min3A_353 = arith.minimumf %max3A_350, %min3A_352 : vector<16xf32>
    %swap3A_354 = arith.constant 352 : index
    %swap3A_355 = tpu.vector_load %arg6[%swap3A_354] {strides = array<i32>} : memref<512xf32, #tpu.memory_space<vmem>>, vector<16xf32>,
    %swap3A_356 = vector.shape_cast %swap3A_355 : vector<16xf32> to vector<16xf32>
    %swap3A_357 = vector.shape_cast %min3A_353 : vector<16xf32> to vector<16xf32>
    tpu.vector_store %arg6[%swap3A_354], %swap3A_357 {strides = array<i32>} : memref<512xf32, #tpu.memory_space<vmem>>, vector<16xf32>,
    %get3A_358 = arith.constant 368 : index
    %get3A_359 = tpu.vector_load %arg6[%get3A_358] {strides = array<i32>} : memref<512xf32, #tpu.memory_space<vmem>>, vector<16xf32>,
    %get3A_360 = vector.shape_cast %get3A_359 : vector<16xf32> to vector<16xf32>
    %max3A_361 = arith.constant 0.000000e+00 : f32
    %max3A_362 = vector.broadcast %max3A_361 : f32 to vector<16xf32>
    %max3A_363 = arith.maximumf %get3A_360, %max3A_362 : vector<16xf32>
    %min3A_364 = arith.constant 2.000000e+00 : f32
    %min3A_365 = vector.broadcast %min3A_364 : f32 to vector<16xf32>
    %min3A_366 = arith.minimumf %max3A_363, %min3A_365 : vector<16xf32>
    %swap3A_367 = arith.constant 368 : index
    %swap3A_368 = tpu.vector_load %arg6[%swap3A_367] {strides = array<i32>} : memref<512xf32, #tpu.memory_space<vmem>>, vector<16xf32>,
    %swap3A_369 = vector.shape_cast %swap3A_368 : vector<16xf32> to vector<16xf32>
    %swap3A_370 = vector.shape_cast %min3A_366 : vector<16xf32> to vector<16xf32>
    tpu.vector_store %arg6[%swap3A_367], %swap3A_370 {strides = array<i32>} : memref<512xf32, #tpu.memory_space<vmem>>, vector<16xf32>,
    %get3A_371 = arith.constant 384 : index
    %get3A_372 = tpu.vector_load %arg6[%get3A_371] {strides = array<i32>} : memref<512xf32, #tpu.memory_space<vmem>>, vector<16xf32>,
    %get3A_373 = vector.shape_cast %get3A_372 : vector<16xf32> to vector<16xf32>
    %max3A_374 = arith.constant 0.000000e+00 : f32
    %max3A_375 = vector.broadcast %max3A_374 : f32 to vector<16xf32>
    %max3A_376 = arith.maximumf %get3A_373, %max3A_375 : vector<16xf32>
    %min3A_377 = arith.constant 2.000000e+00 : f32
    %min3A_378 = vector.broadcast %min3A_377 : f32 to vector<16xf32>
    %min3A_379 = arith.minimumf %max3A_376, %min3A_378 : vector<16xf32>
    %swap3A_380 = arith.constant 384 : index
    %swap3A_381 = tpu.vector_load %arg6[%swap3A_380] {strides = array<i32>} : memref<512xf32, #tpu.memory_space<vmem>>, vector<16xf32>,
    %swap3A_382 = vector.shape_cast %swap3A_381 : vector<16xf32> to vector<16xf32>
    %swap3A_383 = vector.shape_cast %min3A_379 : vector<16xf32> to vector<16xf32>
    tpu.vector_store %arg6[%swap3A_380], %swap3A_383 {strides = array<i32>} : memref<512xf32, #tpu.memory_space<vmem>>, vector<16xf32>,
    %get3A_384 = arith.constant 400 : index
    %get3A_385 = tpu.vector_load %arg6[%get3A_384] {strides = array<i32>} : memref<512xf32, #tpu.memory_space<vmem>>, vector<16xf32>,
    %get3A_386 = vector.shape_cast %get3A_385 : vector<16xf32> to vector<16xf32>
    %max3A_387 = arith.constant 0.000000e+00 : f32
    %max3A_388 = vector.broadcast %max3A_387 : f32 to vector<16xf32>
    %max3A_389 = arith.maximumf %get3A_386, %max3A_388 : vector<16xf32>
    %min3A_390 = arith.constant 2.000000e+00 : f32
    %min3A_391 = vector.broadcast %min3A_390 : f32 to vector<16xf32>
    %min3A_392 = arith.minimumf %max3A_389, %min3A_391 : vector<16xf32>
    %swap3A_393 = arith.constant 400 : index
    %swap3A_394 = tpu.vector_load %arg6[%swap3A_393] {strides = array<i32>} : memref<512xf32, #tpu.memory_space<vmem>>, vector<16xf32>,
    %swap3A_395 = vector.shape_cast %swap3A_394 : vector<16xf32> to vector<16xf32>
    %swap3A_396 = vector.shape_cast %min3A_392 : vector<16xf32> to vector<16xf32>
    tpu.vector_store %arg6[%swap3A_393], %swap3A_396 {strides = array<i32>} : memref<512xf32, #tpu.memory_space<vmem>>, vector<16xf32>,
    %get3A_397 = arith.constant 416 : index
    %get3A_398 = tpu.vector_load %arg6[%get3A_397] {strides = array<i32>} : memref<512xf32, #tpu.memory_space<vmem>>, vector<16xf32>,
    %get3A_399 = vector.shape_cast %get3A_398 : vector<16xf32> to vector<16xf32>
    %max3A_400 = arith.constant 0.000000e+00 : f32
    %max3A_401 = vector.broadcast %max3A_400 : f32 to vector<16xf32>
    %max3A_402 = arith.maximumf %get3A_399, %max3A_401 : vector<16xf32>
    %min3A_403 = arith.constant 2.000000e+00 : f32
    %min3A_404 = vector.broadcast %min3A_403 : f32 to vector<16xf32>
    %min3A_405 = arith.minimumf %max3A_402, %min3A_404 : vector<16xf32>
    %swap3A_406 = arith.constant 416 : index
    %swap3A_407 = tpu.vector_load %arg6[%swap3A_406] {strides = array<i32>} : memref<512xf32, #tpu.memory_space<vmem>>, vector<16xf32>,
    %swap3A_408 = vector.shape_cast %swap3A_407 : vector<16xf32> to vector<16xf32>
    %swap3A_409 = vector.shape_cast %min3A_405 : vector<16xf32> to vector<16xf32>
    tpu.vector_store %arg6[%swap3A_406], %swap3A_409 {strides = array<i32>} : memref<512xf32, #tpu.memory_space<vmem>>, vector<16xf32>,
    %get3A_410 = arith.constant 432 : index
    %get3A_411 = tpu.vector_load %arg6[%get3A_410] {strides = array<i32>} : memref<512xf32, #tpu.memory_space<vmem>>, vector<16xf32>,
    %get3A_412 = vector.shape_cast %get3A_411 : vector<16xf32> to vector<16xf32>
    %max3A_413 = arith.constant 0.000000e+00 : f32
    %max3A_414 = vector.broadcast %max3A_413 : f32 to vector<16xf32>
    %max3A_415 = arith.maximumf %get3A_412, %max3A_414 : vector<16xf32>
    %min3A_416 = arith.constant 2.000000e+00 : f32
    %min3A_417 = vector.broadcast %min3A_416 : f32 to vector<16xf32>
    %min3A_418 = arith.minimumf %max3A_415, %min3A_417 : vector<16xf32>
    %swap3A_419 = arith.constant 432 : index
    %swap3A_420 = tpu.vector_load %arg6[%swap3A_419] {strides = array<i32>} : memref<512xf32, #tpu.memory_space<vmem>>, vector<16xf32>,
    %swap3A_421 = vector.shape_cast %swap3A_420 : vector<16xf32> to vector<16xf32>
    %swap3A_422 = vector.shape_cast %min3A_418 : vector<16xf32> to vector<16xf32>
    tpu.vector_store %arg6[%swap3A_419], %swap3A_422 {strides = array<i32>} : memref<512xf32, #tpu.memory_space<vmem>>, vector<16xf32>,
    %get3A_423 = arith.constant 448 : index
    %get3A_424 = tpu.vector_load %arg6[%get3A_423] {strides = array<i32>} : memref<512xf32, #tpu.memory_space<vmem>>, vector<16xf32>,
    %get3A_425 = vector.shape_cast %get3A_424 : vector<16xf32> to vector<16xf32>
    %max3A_426 = arith.constant 0.000000e+00 : f32
    %max3A_427 = vector.broadcast %max3A_426 : f32 to vector<16xf32>
    %max3A_428 = arith.maximumf %get3A_425, %max3A_427 : vector<16xf32>
    %min3A_429 = arith.constant 2.000000e+00 : f32
    %min3A_430 = vector.broadcast %min3A_429 : f32 to vector<16xf32>
    %min3A_431 = arith.minimumf %max3A_428, %min3A_430 : vector<16xf32>
    %swap3A_432 = arith.constant 448 : index
    %swap3A_433 = tpu.vector_load %arg6[%swap3A_432] {strides = array<i32>} : memref<512xf32, #tpu.memory_space<vmem>>, vector<16xf32>,
    %swap3A_434 = vector.shape_cast %swap3A_433 : vector<16xf32> to vector<16xf32>
    %swap3A_435 = vector.shape_cast %min3A_431 : vector<16xf32> to vector<16xf32>
    tpu.vector_store %arg6[%swap3A_432], %swap3A_435 {strides = array<i32>} : memref<512xf32, #tpu.memory_space<vmem>>, vector<16xf32>,
    %get3A_436 = arith.constant 464 : index
    %get3A_437 = tpu.vector_load %arg6[%get3A_436] {strides = array<i32>} : memref<512xf32, #tpu.memory_space<vmem>>, vector<16xf32>,
    %get3A_438 = vector.shape_cast %get3A_437 : vector<16xf32> to vector<16xf32>
    %max3A_439 = arith.constant 0.000000e+00 : f32
    %max3A_440 = vector.broadcast %max3A_439 : f32 to vector<16xf32>
    %max3A_441 = arith.maximumf %get3A_438, %max3A_440 : vector<16xf32>
    %min3A_442 = arith.constant 2.000000e+00 : f32
    %min3A_443 = vector.broadcast %min3A_442 : f32 to vector<16xf32>
    %min3A_444 = arith.minimumf %max3A_441, %min3A_443 : vector<16xf32>
    %swap3A_445 = arith.constant 464 : index
    %swap3A_446 = tpu.vector_load %arg6[%swap3A_445] {strides = array<i32>} : memref<512xf32, #tpu.memory_space<vmem>>, vector<16xf32>,
    %swap3A_447 = vector.shape_cast %swap3A_446 : vector<16xf32> to vector<16xf32>
    %swap3A_448 = vector.shape_cast %min3A_444 : vector<16xf32> to vector<16xf32>
    tpu.vector_store %arg6[%swap3A_445], %swap3A_448 {strides = array<i32>} : memref<512xf32, #tpu.memory_space<vmem>>, vector<16xf32>,
    %get3A_449 = arith.constant 480 : index
    %get3A_450 = tpu.vector_load %arg6[%get3A_449] {strides = array<i32>} : memref<512xf32, #tpu.memory_space<vmem>>, vector<16xf32>,
    %get3A_451 = vector.shape_cast %get3A_450 : vector<16xf32> to vector<16xf32>
    %max3A_452 = arith.constant 0.000000e+00 : f32
    %max3A_453 = vector.broadcast %max3A_452 : f32 to vector<16xf32>
    %max3A_454 = arith.maximumf %get3A_451, %max3A_453 : vector<16xf32>
    %min3A_455 = arith.constant 2.000000e+00 : f32
    %min3A_456 = vector.broadcast %min3A_455 : f32 to vector<16xf32>
    %min3A_457 = arith.minimumf %max3A_454, %min3A_456 : vector<16xf32>
    %swap3A_458 = arith.constant 480 : index
    %swap3A_459 = tpu.vector_load %arg6[%swap3A_458] {strides = array<i32>} : memref<512xf32, #tpu.memory_space<vmem>>, vector<16xf32>,
    %swap3A_460 = vector.shape_cast %swap3A_459 : vector<16xf32> to vector<16xf32>
    %swap3A_461 = vector.shape_cast %min3A_457 : vector<16xf32> to vector<16xf32>
    tpu.vector_store %arg6[%swap3A_458], %swap3A_461 {strides = array<i32>} : memref<512xf32, #tpu.memory_space<vmem>>, vector<16xf32>,
    %get3A_462 = arith.constant 496 : index
    %get3A_463 = tpu.vector_load %arg6[%get3A_462] {strides = array<i32>} : memref<512xf32, #tpu.memory_space<vmem>>, vector<16xf32>,
    %get3A_464 = vector.shape_cast %get3A_463 : vector<16xf32> to vector<16xf32>
    %max3A_465 = arith.constant 0.000000e+00 : f32
    %max3A_466 = vector.broadcast %max3A_465 : f32 to vector<16xf32>
    %max3A_467 = arith.maximumf %get3A_464, %max3A_466 : vector<16xf32>
    %min3A_468 = arith.constant 2.000000e+00 : f32
    %min3A_469 = vector.broadcast %min3A_468 : f32 to vector<16xf32>
    %min3A_470 = arith.minimumf %max3A_467, %min3A_469 : vector<16xf32>
    %swap3A_471 = arith.constant 496 : index
    %swap3A_472 = tpu.vector_load %arg6[%swap3A_471] {strides = array<i32>} : memref<512xf32, #tpu.memory_space<vmem>>, vector<16xf32>,
    %swap3A_473 = vector.shape_cast %swap3A_472 : vector<16xf32> to vector<16xf32>
    %swap3A_474 = vector.shape_cast %min3A_470 : vector<16xf32> to vector<16xf32>
    tpu.vector_store %arg6[%swap3A_471], %swap3A_474 {strides = array<i32>} : memref<512xf32, #tpu.memory_space<vmem>>, vector<16xf32>,
    %add3A_475 = arith.constant 256 : i32
    %add3A_476 = arith.addi %mul3A_4, %add3A_475 : i32
    %dma_start3A_477 = arith.constant 256 : i32
    %dma_start3A_478 = tpu.memref_slice %arg6[%dma_start3A_477] : memref<512xf32, #tpu.memory_space<vmem>> -> memref<256xf32, #tpu.memory_space<vmem>>
    %dma_start3A_479 = tpu.memref_slice %arg4[%add3A_476] : memref<16384xf32, #tpu.memory_space<hbm>> -> memref<256xf32, #tpu.memory_space<hbm>>
    %dma_start3A_480 = tpu.memref_slice %arg4[%add3A_476] : memref<16384xf32, #tpu.memory_space<hbm>> -> memref<256xf32, #tpu.memory_space<hbm>>
    %dma_start3A_481 = arith.constant 256 : i32
    %dma_start3A_482 = tpu.memref_slice %arg6[%dma_start3A_481] : memref<512xf32, #tpu.memory_space<vmem>> -> memref<256xf32, #tpu.memory_space<vmem>>
    tpu.enqueue_dma source(%dma_start3A_482 : memref<256xf32, #tpu.memory_space<vmem>>) target(%dma_start3A_480 : memref<256xf32, #tpu.memory_space<hbm>>) target_semaphore(%arg11 : memref<!tpu.dma_semaphore, #tpu.memory_space<semaphore_mem>>)
    %dma_wait3A_483 = arith.constant 0 : i32
    %dma_wait3A_484 = tpu.memref_slice %arg6[%dma_wait3A_483] : memref<512xf32, #tpu.memory_space<vmem>> -> memref<256xf32, #tpu.memory_space<vmem>>
    %dma_wait3A_485 = tpu.memref_slice %arg4[%add3A_254] : memref<16384xf32, #tpu.memory_space<hbm>> -> memref<256xf32, #tpu.memory_space<hbm>>
    %dma_wait3A_486 = tpu.memref_slice %arg4[%add3A_254] : memref<16384xf32, #tpu.memory_space<hbm>> -> memref<256xf32, #tpu.memory_space<hbm>>
    %dma_wait3A_487 = arith.constant 0 : i32
    %dma_wait3A_488 = tpu.memref_slice %arg6[%dma_wait3A_487] : memref<512xf32, #tpu.memory_space<vmem>> -> memref<256xf32, #tpu.memory_space<vmem>>
    tpu.wait_dma2 semaphore(%arg11 : memref<!tpu.dma_semaphore, #tpu.memory_space<semaphore_mem>>) src(%dma_wait3A_488 : memref<256xf32, #tpu.memory_space<vmem>>) dst(%dma_wait3A_486 : memref<256xf32, #tpu.memory_space<hbm>>)
    %dma_wait3A_489 = arith.constant 256 : i32
    %dma_wait3A_490 = tpu.memref_slice %arg6[%dma_wait3A_489] : memref<512xf32, #tpu.memory_space<vmem>> -> memref<256xf32, #tpu.memory_space<vmem>>
    %dma_wait3A_491 = tpu.memref_slice %arg4[%add3A_476] : memref<16384xf32, #tpu.memory_space<hbm>> -> memref<256xf32, #tpu.memory_space<hbm>>
    %dma_wait3A_492 = tpu.memref_slice %arg4[%add3A_476] : memref<16384xf32, #tpu.memory_space<hbm>> -> memref<256xf32, #tpu.memory_space<hbm>>
    %dma_wait3A_493 = arith.constant 256 : i32
    %dma_wait3A_494 = tpu.memref_slice %arg6[%dma_wait3A_493] : memref<512xf32, #tpu.memory_space<vmem>> -> memref<256xf32, #tpu.memory_space<vmem>>
    tpu.wait_dma2 semaphore(%arg11 : memref<!tpu.dma_semaphore, #tpu.memory_space<semaphore_mem>>) src(%dma_wait3A_494 : memref<256xf32, #tpu.memory_space<vmem>>) dst(%dma_wait3A_492 : memref<256xf32, #tpu.memory_space<hbm>>)
    return
  }
}

</mosaic_0001>

<sc_bundles>
// kernel: kernel.3.cloned.1.call-start
scs
__scs_entry_jumppad:
0x0: {  	(pc) =	sbr.rel $0x88, $3  }
0x1: {  	(tag) =	ssettag $0x0;
	lr =	simm.s32 $0x1  }
0x2: {  	[smem:$0x3F9F] =	sst lr;
	_ =	strace $0xD0000000  }
0x3: {  	_ = 	snop  }
0x4: {  	_ = 	snop  }
0x5: {  	_ = 	snop  }
0x6: {  	_ = 	snop  }
0x7: {  	_ = 	snop  }
__scs_overlays_trampoline_lowered:
0x8: {  	[smem:$0x3FAE] =	sst s0  }
0x9: {  	[smem:$0x3FAF] =	sst s1  }
0xa: {  	[smem:$0x3FB0] =	sst s2  }
0xb: {  	[smem:$0x3FB1] =	sst s3  }
0xc: {  	[smem:$0x3FB2] =	sst s4  }
0xd: {  	[smem:$0x3FB3] =	sst s5  }
0xe: {  	[smem:$0x3FB4] =	sst s6  }
0xf: {  	[smem:$0x3FB5] =	sst s7  }
0x10: {  	[smem:$0x3FB6] =	sst s8  }
0x11: {  	[smem:$0x3FB7] =	sst s9;
	s0 =	simm.s32 @!p0 $0x0  }
0x12: {  	s1 =	sld [smem:$0x3F9D];
	s0 =	simm.s32 @p0 $0x1  }
0x13: {  	[smem:$0x3FB8] =	sst s0;
	s0 =	simm.s32 @!p1 $0x0  }
0x14: {  	s2 =	sld [smem:$0x3F9C];
	s0 =	simm.s32 @p1 $0x1  }
0x15: {  	[smem:$0x3FB9] =	sst s0;
	s0 =	simm.s32 @!p2 $0x0  }
0x16: {  	s3 =	sld [smem:$0x3FDB];
	s0 =	simm.s32 @p2 $0x1  }
0x17: {  	s4 =	simm.s32 $0x1BF5;
	[smem:$0x3FBB] =	sst s0  }
0x18: {  	s0 =	sld [smem:$0x3F9E];
	_ =	swait.ge [sflag:s4], $0x0  }
0x19: {  	s7 =	sld [smem:$0x3F9F]  }
0x1a: {  	s8 =	sadd.s32 $0xFFFFE003, lr  }
0x1b: {  	s9 =	sadd.s32 $0xFFFFFEF7, lr;
	s5 =	simm.s32 $0xFFFFFFFF;
	p2 =	slt.u32 s8, $0xFFFFF086  }
0x1c: {  	p1 =	slt.u32 s9, $0xF7A;
	s5 =	simm.s32 @!p2 $0x0  }
0x1d: {  	s5 =	simm.s32 @p1 $0x1;
	p0 =	seq.s32 s7, s2  }
0x1e: {  	s7 =	smul.u32 @!p0 $0xF7A, s2;
	p2 =	seq.s32 @!p0 s5, $0x0  }
0x1f: {  	s9 =	smul.u32 $0xF7A, s1;
	s8 =	simm.s32 @!p0 $0x1BF5;
	p2 =	por !p2, p0  }
0x20: {  	[sflag:s8] =	ssyncset.s32 @!p0 $0xFFFFF086;
	s6 =	sadd.s32 @!p0 s3, s7;
	s7 =	simm.s32 @!p0 $0x108  }
0x21: {  	s3 =	sadd.s32 s3, s9;
	s6 =	sadd.s32 @!p0 $0x88, s6;
	s7 =	simm.s32 @p2 $0x1082  }
0x22: {  	[simem:s7], [sflag:s8] =	dma.local @!p0 [hbm:s6], $0xF7A  }
0x23: {  	s9 =	sor.u32 $0xD0000000, s2;
	s6 =	simm.s32 $0x108;
	_ =	swait.ge @!p0 [sflag:s8], $0x0  }
0x24: {  	s3 =	sadd.s32 $0x88, s3;
	s6 =	simm.s32 @!p1 $0x1082;
	[sflag:s4] =	ssyncset.s32 $0xFFFFF086  }
0x25: {  	[simem:s6], [sflag:s4] =	dma.local [hbm:s3], $0xF7A  }
0x26: {  	[smem:$0x3F9F] =	sst s1;
	(tag) =	ssettag s2;
	_ =	strace s9  }
0x27: {  	s1 =	sld [smem:$0x3FAF]  }
0x28: {  	s2 =	sld [smem:$0x3FB0]  }
0x29: {  	s4 =	sld [smem:$0x3FB2]  }
0x2a: {  	p0 =	seq.s32 s5, $0x0;
	s5 =	sld [smem:$0x3FB3]  }
0x2b: {  	s6 =	sld [smem:$0x3FB4]  }
0x2c: {  	s7 =	sld [smem:$0x3FB5]  }
0x2d: {  	s3 =	simm.s32 $0x108;
	s8 =	sld [smem:$0x3FB6]  }
0x2e: {  	s3 =	simm.s32 @!p0 $0x1082;
	s9 =	sld [smem:$0x3FB7]  }
0x2f: {  	lr =	sadd.s32 s0, s3;
	s0 =	sld [smem:$0x3FAE]  }
0x30: {  	s3 =	sld [smem:$0x3FB1]  }
0x31: {  	[smem:$0x3FBA] =	sst s10  }
0x32: {  	s10 =	sld [smem:$0x3FB8];
	_ =	sdelay $0x3  }
0x33: {  	p0 =	seq.s32 s10, $0x1;
	s10 =	sld [smem:$0x3FBA];
	_ =	sdelay $0x3  }
0x34: {  	[smem:$0x3FBA] =	sst s10  }
0x35: {  	s10 =	sld [smem:$0x3FB9];
	_ =	sdelay $0x3  }
0x36: {  	p1 =	seq.s32 s10, $0x1;
	s10 =	sld [smem:$0x3FBA];
	_ =	sdelay $0x3  }
0x37: {  	[smem:$0x3FBA] =	sst s10  }
0x38: {  	s10 =	sld [smem:$0x3FBB]  }
0x39: {  	_ = 	snop;
	(pc) =	sbr.ind lr, $3  }
0x3a: {  	_ = 	snop  }
0x3b: {  	_ = 	snop  }
0x3c: {  	p2 =	seq.s32 s10, $0x1;
	s10 =	sld [smem:$0x3FBA]  }
0x3d: {  	_ =	shalt  }
0x3e: {  	_ =	shalt  }
0x3f: {  	_ =	shalt  }
0x40: {  	_ =	shalt  }
0x41: {  	_ =	shalt  }
0x42: {  	_ =	shalt  }
0x43: {  	_ =	shalt  }
0x44: {  	_ =	shalt  }
0x45: {  	_ =	shalt  }
0x46: {  	_ =	shalt  }
0x47: {  	_ =	shalt  }
0x48: {  	_ =	shalt  }
0x49: {  	_ =	shalt  }
0x4a: {  	_ =	shalt  }
0x4b: {  	_ =	shalt  }
0x4c: {  	_ =	shalt  }
0x4d: {  	_ =	shalt  }
0x4e: {  	_ =	shalt  }
0x4f: {  	_ =	shalt  }
0x50: {  	_ =	shalt  }
0x51: {  	_ =	shalt  }
0x52: {  	_ =	shalt  }
0x53: {  	_ =	shalt  }
0x54: {  	_ =	shalt  }
0x55: {  	_ =	shalt  }
0x56: {  	_ =	shalt  }
0x57: {  	_ =	shalt  }
0x58: {  	_ =	shalt  }
0x59: {  	_ =	shalt  }
0x5a: {  	_ =	shalt  }
0x5b: {  	_ =	shalt  }
0x5c: {  	_ =	shalt  }
0x5d: {  	_ =	shalt  }
0x5e: {  	_ =	shalt  }
0x5f: {  	_ =	shalt  }
0x60: {  	_ =	shalt  }
0x61: {  	_ =	shalt  }
0x62: {  	_ =	shalt  }
0x63: {  	_ =	shalt  }
0x64: {  	_ =	shalt  }
0x65: {  	_ =	shalt  }
0x66: {  	_ =	shalt  }
0x67: {  	_ =	shalt  }
0x68: {  	_ =	shalt  }
0x69: {  	_ =	shalt  }
0x6a: {  	_ =	shalt  }
0x6b: {  	_ =	shalt  }
0x6c: {  	_ =	shalt  }
0x6d: {  	_ =	shalt  }
0x6e: {  	_ =	shalt  }
0x6f: {  	_ =	shalt  }
0x70: {  	_ =	shalt  }
0x71: {  	_ =	shalt  }
0x72: {  	_ =	shalt  }
0x73: {  	_ =	shalt  }
0x74: {  	_ =	shalt  }
0x75: {  	_ =	shalt  }
0x76: {  	_ =	shalt  }
0x77: {  	_ =	shalt  }
0x78: {  	_ =	shalt  }
0x79: {  	_ =	shalt  }
0x7a: {  	_ =	shalt  }
0x7b: {  	_ =	shalt  }
0x7c: {  	_ =	shalt  }
0x7d: {  	_ =	shalt  }
0x7e: {  	_ =	shalt  }
0x7f: {  	_ =	shalt  }
0x80: {  	_ =	shalt  }
0x81: {  	_ =	shalt  }
0x82: {  	_ =	shalt  }
0x83: {  	_ =	shalt  }
0x84: {  	_ =	shalt  }
0x85: {  	_ =	shalt  }
0x86: {  	_ =	shalt  }
0x87: {  	_ =	shalt  }
.Lfunc_end0:
.L_simem_size_0:
called_computation_lowered:
.L_overlay_start_0:
0x88: {  	s2 =	sld [smem:$0x3FD9]  }
0x89: {  	s3 =	sld [smem:$0x3FFE];
	_ =	sdelay $0x1  }
0x8a: {  	s1 =	srdreg.scid  }
0x8b: {  	s0 =	sand.u32 $0x1, s1  }
0x8c: {  	s18 =	sshll.u32 s0, $0xA;
	s2 =	sadd.s32 s3, s2  }
0x8d: {  	s2 =	sadd.s32 s2, s18  }
0x8e: {  	[smem:$0x3FC6] =	sst s2  }
0x8f: {  	_ = 	snop  }
0x90: {  	s2 =	sld [smem:$0x3FC9]  }
0x91: {  	s19 =	sld [smem:$0x3FC8]  }
0x92: {  	s4 =	sld [smem:$0x3FD0];
	(tm) =	ssettm $0x1  }
0x93: {  	s5 =	sld [smem:$0x3FFB];
	_ =	sdelay $0x3  }
0x94: {  	_ =	strace s5  }
0x95: {  	s5 =	sld [smem:$0x3FFC];
	_ =	sdelay $0x3  }
0x96: {  	_ =	strace s5  }
0x97: {  	s5 =	sld [smem:$0x3FFD];
	_ =	sdelay $0x3  }
0x98: {  	_ =	strace s5  }
0x99: {  	_ =	strace $0x8FFFFFFF  }
0x9a: {  	s20 =	sld [smem:$0x3FDB];
	_ =	sdelay $0x1  }
0x9b: {  	s6 =	simm.s32 $_scs_section_size  }
0x9c: {  	s7 =	simm.s32 $_size__tile_overlayer_lowered;
	s8 =	simm.s32 $_tile_overlayer_lowered  }
0x9d: {  	s23 =	simm.s32 $0x1BFF;
	s22 =	sshll.u32 s8, $0x1;
	s5 =	sadd.s32 s6, s20  }
0x9e: {  	s9 =	simm.s32 $0x0;
	s21 =	sshll.u32 s7, $0x1;
	s7 =	sadd.s32 s22, s5  }
0x9f: {  	[timem:s9], [sflag:s23] =	dma.local [hbm:s7], s21  }
0xa0: {  	_ =	swait.ge [sflag:s23], s21  }
0xa1: {  	s6 =	ssub.s32 $0x0, s21;
	[sflag:s23] =	ssyncset.done $0x0  }
0xa2: {  	[sflag:s23] =	ssyncadd.s32 s6;
	_ =	sdelay $0x1  }
0xa3: {  	s24 =	simm.s32 $0x1B8B  }
0xa4: {  	_ =	swait.ge [sflag:s24], $0x1  }
0xa5: {  	[sflag:s24] =	ssyncset.done $0x0  }
0xa6: {  	s25 =	simm.s32 $0x1B8E;
	[sflag:s24] =	ssyncadd.s32 $0xFFFFFFFF  }
0xa7: {  	s26 =	simm.s32 $execute0_lowered;
	[smem:$0x3FD2] =	sst s25  }
0xa8: {  	s6 =	sshll.u32 s26, $0x1;
	_ =	strace $0x80000046;
	[dreg:$0x1] =	wrdreg $0xFFFFFFFF  }
0xa9: {  	s28 =	simm.s32 $_size_execute0_lowered;
	s5 =	sadd.s32 s5, s6;
	[dreg:$0x0] =	wrdreg $0x0  }
0xaa: {  	s6 =	sshll.u32 s28, $0x1;
	[dreg:$0x2] =	wrdreg s5  }
0xab: {  	[dreg:$0x3] =	wrdreg s6  }
0xac: {  	[dreg:$0x4] =	wrdreg $0xC0  }
0xad: {  	_ =	task [dreg:s9], $0x5FFFF  }
0xae: {  	[dreg:$0x1] =	wrdreg $0xFFFFFFFF  }
0xaf: {  	[dreg:$0x0] =	wrdreg $0x60  }
0xb0: {  	[dreg:$0x2] =	wrdreg s2  }
0xb1: {  	[dreg:$0x3] =	wrdreg s19  }
0xb2: {  	[dreg:$0x4] =	wrdreg s4  }
0xb3: {  	[dreg:$0x5] =	wrdreg $0x9  }
0xb4: {  	_ =	task.clear_ibuf [dreg:s9], $0x6FFFF;
	_ =	strace $0x90000046  }
0xb5: {  	s29 =	simm.s32 $0x9;
	_ =	strace $0x80000048  }
0xb6: {  	_ =	swait.ge [sflag:s29], $0x1  }
0xb7: {  	[sflag:s29] =	ssyncadd.s32 $0xFFFFFFFF  }
0xb8: {  	_ =	strace $0x90000048  }
0xb9: {  	_ =	sfence  }
0xba: {  	s30 =	sld [smem:$0x0];
	_ =	sdelay $0x2  }
0xbb: {  	s31 =	sshll.u32 s1, $0xD;
	s1 =	sshrl.u32 s1, $0x2  }
0xbc: {  	s3 =	sand.u32 $0x4000, s31;
	s1 =	sadd.s32 s1, s30  }
0xbd: {  	s0 =	sor.u32 s3, s0;
	s1 =	sshll.u32 s1, $0x11  }
0xbe: {  	s0 =	sor.u32 s1, s0  }
0xbf: {  	s0 =	sadd.s32 $0x8F2B, s0  }
0xc0: {  	[sflag:s0] =	ssyncadd.remote.s32 $0x1  }
0xc1: {  	_ =	sfence.sel $0xFFFF  }
0xc2: {  	[dreg:$0x0] =	wrdreg $0xFFFFFFFF;
	(pc) =	sbr.abs _section_cstart, $3  }
0xc3: {  	[dreg:$0x1] =	wrdreg $0xFFFFFFFF  }
0xc4: {  	_ =	task.clear_ibuf [dreg:s9], $0x2FFFF;
	_ =	strace $0x9FFFFFFF  }
0xc5: {  	(tm) =	ssettm $0x7FFFFFFF  }
tec
execute0_lowered:
.L_overlay_start_1:
0x0: {  	(tag) =	ssettag $0x1  }
0x1: {  	s5 =	rddreg [dreg:$0x0]  }
0x2: {  	s1 =	rddreg [dreg:$0x1]  }
0x3: {  	s7 =	rddreg [dreg:$0x2]  }
0x4: {  	s0 =	rddreg [dreg:$0x3];
	s3 =	simm.s32 $0x0;
	s4 =	srdreg.scid  }
0x5: {  	s2 =	stileid.u32;
	s11 =	simm.s32 $0x200;
	s12 =	simm.s32 $0x2  }
0x6: {  	s13 =	simm.s32 $0x300;
	s14 =	simm.s32 $0x3;
	s15 =	simm.s32 $0x4  }
0x7: {  	s16 =	simm.s32 $0x5;
	[smem:$0x7FF] =	sst s3;
	s4 =	sand.u32 $0x1, s4  }
0x8: {  	s8 =	sshll.u32 s2, $0x7;
	s6 =	ssub.s32 $0x2, s4;
	s4 =	sshll.u32 s4, $0x6  }
0x9: {  	_ =	strace $0x80000047;
	s9 =	sshrl.u32 s6, $0x1;
	s8 =	sor.u32 s4, s8  }
0xa: {  	s9 =	ssub.s32 s6, s9;
	s4 =	sadd.s32 s5, s8;
	s10 =	sor.u32 $0x20, s8  }
0xb: {  	s6 =	sadd.s32 s7, s8;
	s5 =	sadd.s32 s5, s10;
	s7 =	sadd.s32 s7, s10  }
0xc: {  	s8 =	smax.u32 s9, $0x1;
	s9 =	simm.s32 $0x100;
	s10 =	simm.s32 $0x1  }
.LBB2_1:
0xd: {  	[tilespmem:s3], [sflag:$0x1] =	stream.linear.gather [hbm4b:s4+s3], $0x100, $0x38;
	[tilespmem:$0x400] =	vst v63  }
0xe: {  	_ = 	snop  }
0xf: {  	[tilespmem:s9], [sflag:$0x2] =	stream.linear.gather [hbm4b:s5+s3], $0x100, $0x38;
	[tilespmem:$0x400] =	vst v63  }
0x10: {  	_ =	swait.ge [sflag:s10], $0x100  }
0x11: {  	[sflag:s10] =	ssyncset.done $0x0  }
0x12: {  	[sflag:s10] =	ssyncadd.s32 $0xFFFFFF00  }
0x13: {  	[tilespmem:s11], [sflag:$0x3] =	stream.indirect.gather [hbm4b:s1+s9], $0x1, s3, s9, $0xb8;
	[tilespmem:$0x400] =	vst v63  }
0x14: {  	_ =	swait.ge [sflag:s12], $0x100  }
0x15: {  	[sflag:s12] =	ssyncset.done $0x0  }
0x16: {  	[sflag:s12] =	ssyncadd.s32 $0xFFFFFF00  }
0x17: {  	[tilespmem:s13], [sflag:$0x4] =	stream.indirect.gather [hbm4b:s1+s9], $0x1, s9, s9, $0xb8;
	[tilespmem:$0x400] =	vst v63  }
0x18: {  	_ =	swait.ge [sflag:s14], $0x100  }
0x19: {  	[sflag:s14] =	ssyncset.done $0x0  }
0x1a: {  	[sflag:s14] =	ssyncadd.s32 $0xFFFFFF00  }
0x1b: {  	v0 =	vld [tilespmem:$0x200]  }
0x1c: {  	v1 =	vld [tilespmem:$0x210]  }
0x1d: {  	v2 =	vld [tilespmem:$0x220]  }
0x1e: {  	v3 =	vld [tilespmem:$0x230]  }
0x1f: {  	v4 =	vld [tilespmem:$0x240]  }
0x20: {  	v5 =	vld [tilespmem:$0x250];
	v0 =	vmax.f32 v0, $0.0e+00  }
0x21: {  	v6 =	vld [tilespmem:$0x260];
	v1 =	vmax.f32 v1, $0.0e+00;
	v0 =	vmin.f32 v0, $2.000000000e+00  }
0x22: {  	v39 =	vld [tilespmem:$0x270];
	v38 =	vmax.f32 v2, $0.0e+00;
	v37 =	vmin.f32 v1, $2.000000000e+00;
	[tilespmem:$0x200] =	vst v0  }
0x23: {  	v42 =	vld [tilespmem:$0x280];
	v41 =	vmax.f32 v3, $0.0e+00;
	v40 =	vmin.f32 v38, $2.000000000e+00;
	[tilespmem:$0x210] =	vst v37  }
0x24: {  	v45 =	vld [tilespmem:$0x290];
	v44 =	vmax.f32 v4, $0.0e+00;
	v43 =	vmin.f32 v41, $2.000000000e+00;
	[tilespmem:$0x220] =	vst v40  }
0x25: {  	v48 =	vld [tilespmem:$0x2A0];
	v47 =	vmax.f32 v5, $0.0e+00;
	v46 =	vmin.f32 v44, $2.000000000e+00;
	[tilespmem:$0x230] =	vst v43  }
0x26: {  	v51 =	vld [tilespmem:$0x2B0];
	v50 =	vmax.f32 v6, $0.0e+00;
	v49 =	vmin.f32 v47, $2.000000000e+00;
	[tilespmem:$0x240] =	vst v46  }
0x27: {  	v54 =	vld [tilespmem:$0x2C0];
	v53 =	vmax.f32 v39, $0.0e+00;
	v52 =	vmin.f32 v50, $2.000000000e+00;
	[tilespmem:$0x250] =	vst v49  }
0x28: {  	v57 =	vld [tilespmem:$0x2D0];
	v56 =	vmax.f32 v42, $0.0e+00;
	v55 =	vmin.f32 v53, $2.000000000e+00;
	[tilespmem:$0x260] =	vst v52  }
0x29: {  	v60 =	vld [tilespmem:$0x2E0];
	v59 =	vmax.f32 v45, $0.0e+00;
	v58 =	vmin.f32 v56, $2.000000000e+00;
	[tilespmem:$0x270] =	vst v55  }
0x2a: {  	v63 =	vld [tilespmem:$0x2F0];
	v62 =	vmax.f32 v48, $0.0e+00;
	v61 =	vmin.f32 v59, $2.000000000e+00;
	[tilespmem:$0x280] =	vst v58  }
0x2b: {  	v9 =	vmax.f32 v51, $0.0e+00;
	v8 =	vmin.f32 v62, $2.000000000e+00;
	[tilespmem:$0x290] =	vst v61  }
0x2c: {  	v11 =	vmax.f32 v54, $0.0e+00;
	v10 =	vmin.f32 v9, $2.000000000e+00;
	[tilespmem:$0x2A0] =	vst v8  }
0x2d: {  	v13 =	vmax.f32 v57, $0.0e+00;
	v12 =	vmin.f32 v11, $2.000000000e+00;
	[tilespmem:$0x2B0] =	vst v10  }
0x2e: {  	v15 =	vmax.f32 v60, $0.0e+00;
	v14 =	vmin.f32 v13, $2.000000000e+00;
	[tilespmem:$0x2C0] =	vst v12  }
0x2f: {  	v17 =	vmax.f32 v63, $0.0e+00;
	v16 =	vmin.f32 v15, $2.000000000e+00;
	[tilespmem:$0x2D0] =	vst v14  }
0x30: {  	v18 =	vmin.f32 v17, $2.000000000e+00;
	[tilespmem:$0x2E0] =	vst v16  }
0x31: {  	[tilespmem:$0x2F0] =	vst v18  }
0x32: {  	[hbm4b:s6+s3] =	stream.linear.scatter [tilespmem:s11], [sflag:$0x5], $0x100, $0x38;
	[tilespmem:$0x400] =	vst v63  }
0x33: {  	_ =	swait.ge [sflag:s15], $0x100  }
0x34: {  	[sflag:s15] =	ssyncset.done $0x0  }
0x35: {  	[sflag:s15] =	ssyncadd.s32 $0xFFFFFF00  }
0x36: {  	v19 =	vld [tilespmem:$0x300]  }
0x37: {  	v20 =	vld [tilespmem:$0x310]  }
0x38: {  	v21 =	vld [tilespmem:$0x320]  }
0x39: {  	v22 =	vld [tilespmem:$0x330]  }
0x3a: {  	v23 =	vld [tilespmem:$0x340]  }
0x3b: {  	v24 =	vld [tilespmem:$0x350];
	v0 =	vmax.f32 v19, $0.0e+00  }
0x3c: {  	v25 =	vld [tilespmem:$0x360];
	v1 =	vmax.f32 v20, $0.0e+00;
	v0 =	vmin.f32 v0, $2.000000000e+00  }
0x3d: {  	v28 =	vld [tilespmem:$0x370];
	v27 =	vmax.f32 v21, $0.0e+00;
	v26 =	vmin.f32 v1, $2.000000000e+00;
	[tilespmem:$0x300] =	vst v0  }
0x3e: {  	v31 =	vld [tilespmem:$0x380];
	v30 =	vmax.f32 v22, $0.0e+00;
	v29 =	vmin.f32 v27, $2.000000000e+00;
	[tilespmem:$0x310] =	vst v26  }
0x3f: {  	v34 =	vld [tilespmem:$0x390];
	v33 =	vmax.f32 v23, $0.0e+00;
	v32 =	vmin.f32 v30, $2.000000000e+00;
	[tilespmem:$0x320] =	vst v29  }
0x40: {  	v37 =	vld [tilespmem:$0x3A0];
	v36 =	vmax.f32 v24, $0.0e+00;
	v35 =	vmin.f32 v33, $2.000000000e+00;
	[tilespmem:$0x330] =	vst v32  }
0x41: {  	v40 =	vld [tilespmem:$0x3B0];
	v39 =	vmax.f32 v25, $0.0e+00;
	v38 =	vmin.f32 v36, $2.000000000e+00;
	[tilespmem:$0x340] =	vst v35  }
0x42: {  	v43 =	vld [tilespmem:$0x3C0];
	v42 =	vmax.f32 v28, $0.0e+00;
	v41 =	vmin.f32 v39, $2.000000000e+00;
	[tilespmem:$0x350] =	vst v38  }
0x43: {  	v46 =	vld [tilespmem:$0x3D0];
	v45 =	vmax.f32 v31, $0.0e+00;
	v44 =	vmin.f32 v42, $2.000000000e+00;
	[tilespmem:$0x360] =	vst v41  }
0x44: {  	v49 =	vld [tilespmem:$0x3E0];
	v48 =	vmax.f32 v34, $0.0e+00;
	v47 =	vmin.f32 v45, $2.000000000e+00;
	[tilespmem:$0x370] =	vst v44  }
0x45: {  	v52 =	vld [tilespmem:$0x3F0];
	v51 =	vmax.f32 v37, $0.0e+00;
	v50 =	vmin.f32 v48, $2.000000000e+00;
	[tilespmem:$0x380] =	vst v47  }
0x46: {  	v54 =	vmax.f32 v40, $0.0e+00;
	v53 =	vmin.f32 v51, $2.000000000e+00;
	[tilespmem:$0x390] =	vst v50  }
0x47: {  	v56 =	vmax.f32 v43, $0.0e+00;
	v55 =	vmin.f32 v54, $2.000000000e+00;
	[tilespmem:$0x3A0] =	vst v53  }
0x48: {  	v58 =	vmax.f32 v46, $0.0e+00;
	v57 =	vmin.f32 v56, $2.000000000e+00;
	[tilespmem:$0x3B0] =	vst v55  }
0x49: {  	v60 =	vmax.f32 v49, $0.0e+00;
	v59 =	vmin.f32 v58, $2.000000000e+00;
	[tilespmem:$0x3C0] =	vst v57  }
0x4a: {  	v62 =	vmax.f32 v52, $0.0e+00;
	v61 =	vmin.f32 v60, $2.000000000e+00;
	[tilespmem:$0x3D0] =	vst v59  }
0x4b: {  	v63 =	vmin.f32 v62, $2.000000000e+00;
	[tilespmem:$0x3E0] =	vst v61  }
0x4c: {  	[tilespmem:$0x3F0] =	vst v63  }
0x4d: {  	[hbm4b:s7+s3] =	stream.linear.scatter [tilespmem:s13], [sflag:$0x5], $0x100, $0x38;
	[tilespmem:$0x400] =	vst v63  }
0x4e: {  	p0 =	sne.s32 s8, $0x1;
	_ =	swait.ge [sflag:s16], $0x100  }
.Ltmp0:
0x4f: {  	[sflag:s16] =	ssyncset.done $0x0;
	(pc) =	sbr.rel @p0 .LBB2_1-.Ltmp0, $4  }
0x50: {  	[sflag:s16] =	ssyncadd.s32 $0xFFFFFF00  }
0x51: {  	_ =	swait.ge [sflag:s16], $0x100  }
0x52: {  	[sflag:s16] =	ssyncset.done $0x0  }
0x53: {  	s8 =	sadd.s32 $0xFFFFFFFF, s8;
	[sflag:s16] =	ssyncadd.s32 $0xFFFFFF00  }
0x54: {  	_ =	sfence.sel $0x180000  }
0x55: {  	[bflag:$0x0] =	sbarrier.arrive $0xFFFF  }
0x56: {  	p0 =	sne.s32 s2, $0x0;
	_ =	strace $0x90000047  }
0x57: {  	s0 =	sadd.s32 @!p0 $0x100000, s0;
	[bflag:$0x2] =	sbarrier.arrive $0xFFFF  }
0x58: {  	[sflag:s0] =	ssyncadd.tile.s32 @!p0 $0x1;
	_ =	shalt  }
.Lfunc_end2:
_tile_overlayer_lowered:
.L_overlay_start_2:
0x59: {  	(tag) =	ssettag $0x2  }
0x5a: {  	s0 =	rddreg [dreg:$0x0];
	s2 =	stileid.u32  }
0x5b: {  	s1 =	rddreg [dreg:$0x1];
	p0 =	sne.s32 s2, $0x0  }
0x5c: {  	s3 =	rddreg [dreg:$0x2];
	[bflag:$0x3] =	sbarrier.arrive $0xFFFF;
	s2 =	simm.s32 @!p0 $0x1C06  }
0x5d: {  	[timem:s3], [sflag:s2] =	dma.local @!p0 [hbm:s0], s1  }
0x5e: {  	s0 =	simm.s32 @!p0 $0x6  }
0x5f: {  	_ =	swait.ge @!p0 [sflag:s0], s1  }
0x60: {  	s1 =	ssub.s32 @!p0 $0x0, s1;
	[sflag:s0] =	ssyncset.done @!p0 $0x0  }
0x61: {  	[sflag:s0] =	ssyncadd.s32 @!p0 s1  }
0x62: {  	[bflag:$0x3] =	sbarrier.arrive $0xFFFF  }
0x63: {  	_ =	shalt  }

</sc_bundles>
